<compile_context>
chip_gen: v7x
topology: tpu7x:2x2x1
jax: 0.10.2.dev20260603
libtpu: 0.0.44.dev20260713+nightly
codegen_flags: <defaults>
</compile_context>

<pallas_src>
import functools

import jax
import jax.numpy as jnp
from jax import lax
from jax.experimental import pallas as pl
from jax.experimental.pallas import tpu as pltpu
from jax.experimental.pallas import tpu_sc as plsc

N_SPINS = 20
BATCH = 16384
NC = 2
NS = 16
NW = NC * NS
B_PER_W = BATCH // NW
LANES = 16
CHUNK = 64
NCHUNK = B_PER_W // CHUNK

_LN2 = 0.6931471805599453


def _pack_body(xt_ref, idx_ref):
    p = jnp.left_shift(
        jnp.int32(1),
        N_SPINS - 1 - lax.broadcasted_iota(jnp.int32, (N_SPINS, 1), 0))
    idx_ref[...] = jnp.sum(xt_ref[...] * p, axis=0)


_pack = pl.pallas_call(
    _pack_body,
    in_specs=[pl.BlockSpec((N_SPINS, BATCH), lambda: (0, 0))],
    out_specs=pl.BlockSpec((BATCH,), lambda: (0,)),
    out_shape=jax.ShapeDtypeStruct((BATCH,), jnp.int32),
)


def _log16(v):
    bits = lax.bitcast_convert_type(v, jnp.int32)
    e = (bits >> 23) - 127
    m = lax.bitcast_convert_type(
        (bits & 0x007FFFFF) | 0x3F800000, jnp.float32)
    t = (m - 1.0) / (m + 1.0)
    t2 = t * t
    poly = 2.0 * t * (1.0 + t2 * (1.0 / 3.0 + t2 * (
        1.0 / 5.0 + t2 * (1.0 / 7.0 + t2 * (1.0 / 9.0)))))
    return e.astype(jnp.float32) * _LN2 + poly


@functools.partial(
    pl.kernel,
    out_type=jax.ShapeDtypeStruct((BATCH,), jnp.float32),
    mesh=plsc.VectorSubcoreMesh(
        core_axis_name="c", subcore_axis_name="s",
        num_cores=NC, num_subcores=NS),
    scratch_types=[
        pltpu.VMEM((B_PER_W,), jnp.int32),
        pltpu.VMEM((B_PER_W,), jnp.float32),
        pltpu.VMEM((B_PER_W,), jnp.float32),
        pltpu.SemaphoreType.DMA,
        pltpu.SemaphoreType.DMA,
        pltpu.SemaphoreType.DMA,
        pltpu.SemaphoreType.DMA,
    ],
    compiler_params=pltpu.CompilerParams(needs_layout_passes=False),
)
def _gather_log_sc(idx_hbm, table_hbm, out_hbm, idx_v, val_v, out_v,
                   is0, is1, gs0, gs1):
    wid = lax.axis_index("s") * NC + lax.axis_index("c")
    base = wid * B_PER_W

    ih0 = pltpu.async_copy(
        idx_hbm.at[pl.ds(base, CHUNK)], idx_v.at[pl.ds(0, CHUNK)], is0)
    ih1 = pltpu.async_copy(
        idx_hbm.at[pl.ds(base + CHUNK, B_PER_W - CHUNK)],
        idx_v.at[pl.ds(CHUNK, B_PER_W - CHUNK)], is1)

    ih0.wait()
    gh0 = pltpu.async_copy(
        table_hbm.at[idx_v.at[pl.ds(0, CHUNK)]],
        val_v.at[pl.ds(0, CHUNK)], gs0)
    ih1.wait()
    gh = [
        pltpu.async_copy(
            table_hbm.at[idx_v.at[pl.ds(k * CHUNK, CHUNK)]],
            val_v.at[pl.ds(k * CHUNK, CHUNK)], gs1)
        for k in range(1, NCHUNK)
    ]

    gh0.wait()

    @plsc.parallel_loop(0, CHUNK, LANES, unroll=4)
    def log_group0(off):
        out_v[pl.ds(off, LANES)] = _log16(val_v[pl.ds(off, LANES)])

    for h in gh:
        h.wait()

    @plsc.parallel_loop(CHUNK, B_PER_W, LANES, unroll=4)
    def log_group1(off):
        out_v[pl.ds(off, LANES)] = _log16(val_v[pl.ds(off, LANES)])

    pltpu.sync_copy(out_v, out_hbm.at[pl.ds(base, B_PER_W)])


def kernel(x, table, j1):
    del j1
    return _gather_log_sc(_pack(jnp.swapaxes(x, 0, 1)), table)

# --- scband reference (transcript-rebuilt; emitter-appended) ---
"""Pipeline reference for scband-ewf-46411416600831 (READ-ONLY COPY).

The authoritative reference and input builder live on the scoring server;
editing this copy changes nothing except your own understanding.
"""

import jax, jax.numpy as jnp
import numpy as np

N_SPINS = 20
N_STATES = 2 ** N_SPINS  # 1048576 basis states
BATCH = 16384


def setup_inputs(seed: int = 0) -> dict:
    key = jax.random.key(seed)
    k1, k2, k3 = jax.random.split(key, 3)
    # spin configurations encoded as bits (0 = spin down, 1 = spin up)
    x = jax.random.randint(k1, (BATCH, N_SPINS), 0, 2, dtype=jnp.int32)
    # eig_vec: ground-state amplitudes over all 2^N basis states (positive so log is finite)
    table = jax.random.uniform(k2, (N_STATES,), dtype=jnp.float32, minval=0.01, maxval=1.0)
    # unused learned parameter j1 from the flax module (kept for faithfulness)
    j1 = jax.random.normal(k3, (1,), dtype=jnp.float32) * 0.01
    return {"x": x, "table": table, "j1": j1}


def reference(x, table, j1):
    # hi.states_to_numbers: convert each spin configuration to its basis-state index
    powers = 2 ** jnp.arange(N_SPINS - 1, -1, -1)  # int32, fits since N_SPINS=20
    idx = jnp.sum(x * powers[None, :], axis=-1)  # [BATCH] in [0, 2^N)
    # A = [aux[i] for i in indices] -> gather from eig_vec table
    A = jnp.take(table, idx, axis=0)  # [BATCH]
    return jnp.log(A)

if __name__ == "__main__":
    import jax
    _d = setup_inputs()
    print(jax.jit(kernel)(*tuple(_d.values())))

</pallas_src>

<mosaic_0001>
#map = affine_map<(d0, d1) -> (0)>
module attributes {stable_mosaic.version = 14 : i64} {
  func.func @_gather_log_sc(%arg0: i32, %arg1: i32, %arg2: memref<16384xi32, #tpu.memory_space<hbm>>, %arg3: memref<1048576xf32, #tpu.memory_space<hbm>>, %arg4: memref<16384xf32, #tpu.memory_space<hbm>>, %arg5: memref<512xi32, #tpu.memory_space<vmem>>, %arg6: memref<512xf32, #tpu.memory_space<vmem>>, %arg7: memref<512xf32, #tpu.memory_space<vmem>>, %arg8: memref<!tpu.dma_semaphore, #tpu.memory_space<semaphore_mem>>, %arg9: memref<!tpu.dma_semaphore, #tpu.memory_space<semaphore_mem>>, %arg10: memref<!tpu.dma_semaphore, #tpu.memory_space<semaphore_mem>>, %arg11: memref<!tpu.dma_semaphore, #tpu.memory_space<semaphore_mem>>) attributes {dimension_semantics = [#tpu.dimension_semantics<core_parallel>, #tpu.dimension_semantics<subcore_parallel>], iteration_bounds = array<i64: 2, 16>, scalar_prefetch = 0 : i64, scratch_operands = 7 : i64, tpu.core_type = #tpu.core_type<sc_vector_subcore>, window_params = [{transform_indices = #map}, {transform_indices = #map}, {transform_indices = #map}]} {
    %mul3A = arith.constant 2 : i32
    %mul3A_0 = arith.muli %arg1, %mul3A : i32
    %add3A = arith.addi %mul3A_0, %arg0 : i32
    %mul3A_1 = arith.constant 512 : i32
    %mul3A_2 = arith.muli %add3A, %mul3A_1 : i32
    %dma_start3A = arith.constant 0 : i32
    %dma_start3A_3 = tpu.memref_slice %arg5[%dma_start3A] : memref<512xi32, #tpu.memory_space<vmem>> -> memref<64xi32, #tpu.memory_space<vmem>>
    %dma_start3A_4 = tpu.memref_slice %arg2[%mul3A_2] : memref<16384xi32, #tpu.memory_space<hbm>> -> memref<64xi32, #tpu.memory_space<hbm>>
    %dma_start3A_5 = arith.constant 0 : i32
    %dma_start3A_6 = tpu.memref_slice %arg5[%dma_start3A_5] : memref<512xi32, #tpu.memory_space<vmem>> -> memref<64xi32, #tpu.memory_space<vmem>>
    %dma_start3A_7 = tpu.memref_slice %arg2[%mul3A_2] : memref<16384xi32, #tpu.memory_space<hbm>> -> memref<64xi32, #tpu.memory_space<hbm>>
    tpu.enqueue_dma source(%dma_start3A_7 : memref<64xi32, #tpu.memory_space<hbm>>) target(%dma_start3A_6 : memref<64xi32, #tpu.memory_space<vmem>>) target_semaphore(%arg8 : memref<!tpu.dma_semaphore, #tpu.memory_space<semaphore_mem>>)
    %add3A_8 = arith.constant 64 : i32
    %add3A_9 = arith.addi %mul3A_2, %add3A_8 : i32
    %dma_start3A_10 = arith.constant 64 : i32
    %dma_start3A_11 = tpu.memref_slice %arg5[%dma_start3A_10] : memref<512xi32, #tpu.memory_space<vmem>> -> memref<448xi32, #tpu.memory_space<vmem>>
    %dma_start3A_12 = tpu.memref_slice %arg2[%add3A_9] : memref<16384xi32, #tpu.memory_space<hbm>> -> memref<448xi32, #tpu.memory_space<hbm>>
    %dma_start3A_13 = arith.constant 64 : i32
    %dma_start3A_14 = tpu.memref_slice %arg5[%dma_start3A_13] : memref<512xi32, #tpu.memory_space<vmem>> -> memref<448xi32, #tpu.memory_space<vmem>>
    %dma_start3A_15 = tpu.memref_slice %arg2[%add3A_9] : memref<16384xi32, #tpu.memory_space<hbm>> -> memref<448xi32, #tpu.memory_space<hbm>>
    tpu.enqueue_dma source(%dma_start3A_15 : memref<448xi32, #tpu.memory_space<hbm>>) target(%dma_start3A_14 : memref<448xi32, #tpu.memory_space<vmem>>) target_semaphore(%arg9 : memref<!tpu.dma_semaphore, #tpu.memory_space<semaphore_mem>>)
    %dma_wait3A = arith.constant 0 : i32
    %dma_wait3A_16 = tpu.memref_slice %arg5[%dma_wait3A] : memref<512xi32, #tpu.memory_space<vmem>> -> memref<64xi32, #tpu.memory_space<vmem>>
    %dma_wait3A_17 = tpu.memref_slice %arg2[%mul3A_2] : memref<16384xi32, #tpu.memory_space<hbm>> -> memref<64xi32, #tpu.memory_space<hbm>>
    %dma_wait3A_18 = arith.constant 0 : i32
    %dma_wait3A_19 = tpu.memref_slice %arg5[%dma_wait3A_18] : memref<512xi32, #tpu.memory_space<vmem>> -> memref<64xi32, #tpu.memory_space<vmem>>
    %dma_wait3A_20 = tpu.memref_slice %arg2[%mul3A_2] : memref<16384xi32, #tpu.memory_space<hbm>> -> memref<64xi32, #tpu.memory_space<hbm>>
    tpu.wait_dma2 semaphore(%arg8 : memref<!tpu.dma_semaphore, #tpu.memory_space<semaphore_mem>>) src(%dma_wait3A_20 : memref<64xi32, #tpu.memory_space<hbm>>) dst(%dma_wait3A_19 : memref<64xi32, #tpu.memory_space<vmem>>)
    %dma_start3A_21 = arith.constant 0 : i32
    %dma_start3A_22 = tpu.memref_slice %arg6[%dma_start3A_21] : memref<512xf32, #tpu.memory_space<vmem>> -> memref<64xf32, #tpu.memory_space<vmem>>
    %dma_start3A_23 = arith.constant 0 : i32
    %dma_start3A_24 = tpu.memref_slice %arg5[%dma_start3A_23] : memref<512xi32, #tpu.memory_space<vmem>> -> memref<64xi32, #tpu.memory_space<vmem>>
    %dma_start3A_25 = arith.constant 0 : i32
    %dma_start3A_26 = tpu.memref_slice %arg3[%dma_start3A_25] : memref<1048576xf32, #tpu.memory_space<hbm>> -> memref<1048576xf32, #tpu.memory_space<hbm>>
    tpu.enqueue_indirect_dma source(%dma_start3A_26 : memref<1048576xf32, #tpu.memory_space<hbm>>) target(%dma_start3A_22 : memref<64xf32, #tpu.memory_space<vmem>>) offsets(%dma_start3A_24 : memref<64xi32, #tpu.memory_space<vmem>>) semaphore(%arg10 : memref<!tpu.dma_semaphore, #tpu.memory_space<semaphore_mem>>)
    %dma_wait3A_27 = arith.constant 64 : i32
    %dma_wait3A_28 = tpu.memref_slice %arg5[%dma_wait3A_27] : memref<512xi32, #tpu.memory_space<vmem>> -> memref<448xi32, #tpu.memory_space<vmem>>
    %dma_wait3A_29 = tpu.memref_slice %arg2[%add3A_9] : memref<16384xi32, #tpu.memory_space<hbm>> -> memref<448xi32, #tpu.memory_space<hbm>>
    %dma_wait3A_30 = arith.constant 64 : i32
    %dma_wait3A_31 = tpu.memref_slice %arg5[%dma_wait3A_30] : memref<512xi32, #tpu.memory_space<vmem>> -> memref<448xi32, #tpu.memory_space<vmem>>
    %dma_wait3A_32 = tpu.memref_slice %arg2[%add3A_9] : memref<16384xi32, #tpu.memory_space<hbm>> -> memref<448xi32, #tpu.memory_space<hbm>>
    tpu.wait_dma2 semaphore(%arg9 : memref<!tpu.dma_semaphore, #tpu.memory_space<semaphore_mem>>) src(%dma_wait3A_32 : memref<448xi32, #tpu.memory_space<hbm>>) dst(%dma_wait3A_31 : memref<448xi32, #tpu.memory_space<vmem>>)
    %dma_start3A_33 = arith.constant 64 : i32
    %dma_start3A_34 = tpu.memref_slice %arg6[%dma_start3A_33] : memref<512xf32, #tpu.memory_space<vmem>> -> memref<64xf32, #tpu.memory_space<vmem>>
    %dma_start3A_35 = arith.constant 64 : i32
    %dma_start3A_36 = tpu.memref_slice %arg5[%dma_start3A_35] : memref<512xi32, #tpu.memory_space<vmem>> -> memref<64xi32, #tpu.memory_space<vmem>>
    %dma_start3A_37 = arith.constant 0 : i32
    %dma_start3A_38 = tpu.memref_slice %arg3[%dma_start3A_37] : memref<1048576xf32, #tpu.memory_space<hbm>> -> memref<1048576xf32, #tpu.memory_space<hbm>>
    tpu.enqueue_indirect_dma source(%dma_start3A_38 : memref<1048576xf32, #tpu.memory_space<hbm>>) target(%dma_start3A_34 : memref<64xf32, #tpu.memory_space<vmem>>) offsets(%dma_start3A_36 : memref<64xi32, #tpu.memory_space<vmem>>) semaphore(%arg11 : memref<!tpu.dma_semaphore, #tpu.memory_space<semaphore_mem>>)
    %dma_start3A_39 = arith.constant 128 : i32
    %dma_start3A_40 = tpu.memref_slice %arg6[%dma_start3A_39] : memref<512xf32, #tpu.memory_space<vmem>> -> memref<64xf32, #tpu.memory_space<vmem>>
    %dma_start3A_41 = arith.constant 128 : i32
    %dma_start3A_42 = tpu.memref_slice %arg5[%dma_start3A_41] : memref<512xi32, #tpu.memory_space<vmem>> -> memref<64xi32, #tpu.memory_space<vmem>>
    %dma_start3A_43 = arith.constant 0 : i32
    %dma_start3A_44 = tpu.memref_slice %arg3[%dma_start3A_43] : memref<1048576xf32, #tpu.memory_space<hbm>> -> memref<1048576xf32, #tpu.memory_space<hbm>>
    tpu.enqueue_indirect_dma source(%dma_start3A_44 : memref<1048576xf32, #tpu.memory_space<hbm>>) target(%dma_start3A_40 : memref<64xf32, #tpu.memory_space<vmem>>) offsets(%dma_start3A_42 : memref<64xi32, #tpu.memory_space<vmem>>) semaphore(%arg11 : memref<!tpu.dma_semaphore, #tpu.memory_space<semaphore_mem>>)
    %dma_start3A_45 = arith.constant 192 : i32
    %dma_start3A_46 = tpu.memref_slice %arg6[%dma_start3A_45] : memref<512xf32, #tpu.memory_space<vmem>> -> memref<64xf32, #tpu.memory_space<vmem>>
    %dma_start3A_47 = arith.constant 192 : i32
    %dma_start3A_48 = tpu.memref_slice %arg5[%dma_start3A_47] : memref<512xi32, #tpu.memory_space<vmem>> -> memref<64xi32, #tpu.memory_space<vmem>>
    %dma_start3A_49 = arith.constant 0 : i32
    %dma_start3A_50 = tpu.memref_slice %arg3[%dma_start3A_49] : memref<1048576xf32, #tpu.memory_space<hbm>> -> memref<1048576xf32, #tpu.memory_space<hbm>>
    tpu.enqueue_indirect_dma source(%dma_start3A_50 : memref<1048576xf32, #tpu.memory_space<hbm>>) target(%dma_start3A_46 : memref<64xf32, #tpu.memory_space<vmem>>) offsets(%dma_start3A_48 : memref<64xi32, #tpu.memory_space<vmem>>) semaphore(%arg11 : memref<!tpu.dma_semaphore, #tpu.memory_space<semaphore_mem>>)
    %dma_start3A_51 = arith.constant 256 : i32
    %dma_start3A_52 = tpu.memref_slice %arg6[%dma_start3A_51] : memref<512xf32, #tpu.memory_space<vmem>> -> memref<64xf32, #tpu.memory_space<vmem>>
    %dma_start3A_53 = arith.constant 256 : i32
    %dma_start3A_54 = tpu.memref_slice %arg5[%dma_start3A_53] : memref<512xi32, #tpu.memory_space<vmem>> -> memref<64xi32, #tpu.memory_space<vmem>>
    %dma_start3A_55 = arith.constant 0 : i32
    %dma_start3A_56 = tpu.memref_slice %arg3[%dma_start3A_55] : memref<1048576xf32, #tpu.memory_space<hbm>> -> memref<1048576xf32, #tpu.memory_space<hbm>>
    tpu.enqueue_indirect_dma source(%dma_start3A_56 : memref<1048576xf32, #tpu.memory_space<hbm>>) target(%dma_start3A_52 : memref<64xf32, #tpu.memory_space<vmem>>) offsets(%dma_start3A_54 : memref<64xi32, #tpu.memory_space<vmem>>) semaphore(%arg11 : memref<!tpu.dma_semaphore, #tpu.memory_space<semaphore_mem>>)
    %dma_start3A_57 = arith.constant 320 : i32
    %dma_start3A_58 = tpu.memref_slice %arg6[%dma_start3A_57] : memref<512xf32, #tpu.memory_space<vmem>> -> memref<64xf32, #tpu.memory_space<vmem>>
    %dma_start3A_59 = arith.constant 320 : i32
    %dma_start3A_60 = tpu.memref_slice %arg5[%dma_start3A_59] : memref<512xi32, #tpu.memory_space<vmem>> -> memref<64xi32, #tpu.memory_space<vmem>>
    %dma_start3A_61 = arith.constant 0 : i32
    %dma_start3A_62 = tpu.memref_slice %arg3[%dma_start3A_61] : memref<1048576xf32, #tpu.memory_space<hbm>> -> memref<1048576xf32, #tpu.memory_space<hbm>>
    tpu.enqueue_indirect_dma source(%dma_start3A_62 : memref<1048576xf32, #tpu.memory_space<hbm>>) target(%dma_start3A_58 : memref<64xf32, #tpu.memory_space<vmem>>) offsets(%dma_start3A_60 : memref<64xi32, #tpu.memory_space<vmem>>) semaphore(%arg11 : memref<!tpu.dma_semaphore, #tpu.memory_space<semaphore_mem>>)
    %dma_start3A_63 = arith.constant 384 : i32
    %dma_start3A_64 = tpu.memref_slice %arg6[%dma_start3A_63] : memref<512xf32, #tpu.memory_space<vmem>> -> memref<64xf32, #tpu.memory_space<vmem>>
    %dma_start3A_65 = arith.constant 384 : i32
    %dma_start3A_66 = tpu.memref_slice %arg5[%dma_start3A_65] : memref<512xi32, #tpu.memory_space<vmem>> -> memref<64xi32, #tpu.memory_space<vmem>>
    %dma_start3A_67 = arith.constant 0 : i32
    %dma_start3A_68 = tpu.memref_slice %arg3[%dma_start3A_67] : memref<1048576xf32, #tpu.memory_space<hbm>> -> memref<1048576xf32, #tpu.memory_space<hbm>>
    tpu.enqueue_indirect_dma source(%dma_start3A_68 : memref<1048576xf32, #tpu.memory_space<hbm>>) target(%dma_start3A_64 : memref<64xf32, #tpu.memory_space<vmem>>) offsets(%dma_start3A_66 : memref<64xi32, #tpu.memory_space<vmem>>) semaphore(%arg11 : memref<!tpu.dma_semaphore, #tpu.memory_space<semaphore_mem>>)
    %dma_start3A_69 = arith.constant 448 : i32
    %dma_start3A_70 = tpu.memref_slice %arg6[%dma_start3A_69] : memref<512xf32, #tpu.memory_space<vmem>> -> memref<64xf32, #tpu.memory_space<vmem>>
    %dma_start3A_71 = arith.constant 448 : i32
    %dma_start3A_72 = tpu.memref_slice %arg5[%dma_start3A_71] : memref<512xi32, #tpu.memory_space<vmem>> -> memref<64xi32, #tpu.memory_space<vmem>>
    %dma_start3A_73 = arith.constant 0 : i32
    %dma_start3A_74 = tpu.memref_slice %arg3[%dma_start3A_73] : memref<1048576xf32, #tpu.memory_space<hbm>> -> memref<1048576xf32, #tpu.memory_space<hbm>>
    tpu.enqueue_indirect_dma source(%dma_start3A_74 : memref<1048576xf32, #tpu.memory_space<hbm>>) target(%dma_start3A_70 : memref<64xf32, #tpu.memory_space<vmem>>) offsets(%dma_start3A_72 : memref<64xi32, #tpu.memory_space<vmem>>) semaphore(%arg11 : memref<!tpu.dma_semaphore, #tpu.memory_space<semaphore_mem>>)
    %dma_wait3A_75 = arith.constant 0 : i32
    %dma_wait3A_76 = tpu.memref_slice %arg6[%dma_wait3A_75] : memref<512xf32, #tpu.memory_space<vmem>> -> memref<64xf32, #tpu.memory_space<vmem>>
    %dma_wait3A_77 = arith.constant 0 : i32
    %dma_wait3A_78 = tpu.memref_slice %arg5[%dma_wait3A_77] : memref<512xi32, #tpu.memory_space<vmem>> -> memref<64xi32, #tpu.memory_space<vmem>>
    %dma_wait3A_79 = arith.constant 0 : i32
    %dma_wait3A_80 = tpu.memref_slice %arg3[%dma_wait3A_79] : memref<1048576xf32, #tpu.memory_space<hbm>> -> memref<1048576xf32, #tpu.memory_space<hbm>>
    tpu.wait_indirect_dma semaphore(%arg10 : memref<!tpu.dma_semaphore, #tpu.memory_space<semaphore_mem>>) src(%dma_wait3A_80 : memref<1048576xf32, #tpu.memory_space<hbm>>) dst(%dma_wait3A_76 : memref<64xf32, #tpu.memory_space<vmem>>)
    %parallel_loop3A = arith.constant 0 : i32
    %parallel_loop3A_81 = arith.constant 64 : i32
    %parallel_loop3A_82 = arith.constant 16 : i32
    scf.for %parallel_loop3A_128 = %parallel_loop3A to %parallel_loop3A_81 step %parallel_loop3A_82  : i32 {
      %parallel_loop3A_129 = arith.index_cast %parallel_loop3A_128 : i32 to index
      %parallel_loop3A_130 = tpu.vector_load %arg6[%parallel_loop3A_129] {strides = array<i32>} : memref<512xf32, #tpu.memory_space<vmem>>, vector<16xf32>,
      %parallel_loop3A_131 = tpu.bitcast %parallel_loop3A_130 : vector<16xf32> -> vector<16xi32>
      %parallel_loop3A_132 = arith.constant 23 : i32
      %parallel_loop3A_133 = vector.broadcast %parallel_loop3A_132 : i32 to vector<16xi32>
      %parallel_loop3A_134 = arith.shrsi %parallel_loop3A_131, %parallel_loop3A_133 : vector<16xi32>
      %parallel_loop3A_135 = arith.constant 127 : i32
      %parallel_loop3A_136 = vector.broadcast %parallel_loop3A_135 : i32 to vector<16xi32>
      %parallel_loop3A_137 = arith.subi %parallel_loop3A_134, %parallel_loop3A_136 : vector<16xi32>
      %parallel_loop3A_138 = arith.constant 8388607 : i32
      %parallel_loop3A_139 = vector.broadcast %parallel_loop3A_138 : i32 to vector<16xi32>
      %parallel_loop3A_140 = arith.andi %parallel_loop3A_131, %parallel_loop3A_139 : vector<16xi32>
      %parallel_loop3A_141 = arith.constant 1065353216 : i32
      %parallel_loop3A_142 = vector.broadcast %parallel_loop3A_141 : i32 to vector<16xi32>
      %parallel_loop3A_143 = arith.ori %parallel_loop3A_140, %parallel_loop3A_142 : vector<16xi32>
      %parallel_loop3A_144 = tpu.bitcast %parallel_loop3A_143 : vector<16xi32> -> vector<16xf32>
      %parallel_loop3A_145 = arith.constant 1.000000e+00 : f32
      %parallel_loop3A_146 = vector.broadcast %parallel_loop3A_145 : f32 to vector<16xf32>
      %parallel_loop3A_147 = arith.subf %parallel_loop3A_144, %parallel_loop3A_146 : vector<16xf32>
      %parallel_loop3A_148 = arith.constant 1.000000e+00 : f32
      %parallel_loop3A_149 = vector.broadcast %parallel_loop3A_148 : f32 to vector<16xf32>
      %parallel_loop3A_150 = arith.addf %parallel_loop3A_144, %parallel_loop3A_149 : vector<16xf32>
      %parallel_loop3A_151 = arith.divf %parallel_loop3A_147, %parallel_loop3A_150 : vector<16xf32>
      %parallel_loop3A_152 = arith.mulf %parallel_loop3A_151, %parallel_loop3A_151 : vector<16xf32>
      %parallel_loop3A_153 = arith.constant 2.000000e+00 : f32
      %parallel_loop3A_154 = vector.broadcast %parallel_loop3A_153 : f32 to vector<16xf32>
      %parallel_loop3A_155 = arith.mulf %parallel_loop3A_154, %parallel_loop3A_151 : vector<16xf32>
      %parallel_loop3A_156 = arith.constant 0.111111112 : f32
      %parallel_loop3A_157 = vector.broadcast %parallel_loop3A_156 : f32 to vector<16xf32>
      %parallel_loop3A_158 = arith.mulf %parallel_loop3A_152, %parallel_loop3A_157 : vector<16xf32>
      %parallel_loop3A_159 = arith.constant 0.142857149 : f32
      %parallel_loop3A_160 = vector.broadcast %parallel_loop3A_159 : f32 to vector<16xf32>
      %parallel_loop3A_161 = arith.addf %parallel_loop3A_160, %parallel_loop3A_158 : vector<16xf32>
      %parallel_loop3A_162 = arith.mulf %parallel_loop3A_152, %parallel_loop3A_161 : vector<16xf32>
      %parallel_loop3A_163 = arith.constant 2.000000e-01 : f32
      %parallel_loop3A_164 = vector.broadcast %parallel_loop3A_163 : f32 to vector<16xf32>
      %parallel_loop3A_165 = arith.addf %parallel_loop3A_164, %parallel_loop3A_162 : vector<16xf32>
      %parallel_loop3A_166 = arith.mulf %parallel_loop3A_152, %parallel_loop3A_165 : vector<16xf32>
      %parallel_loop3A_167 = arith.constant 0.333333343 : f32
      %parallel_loop3A_168 = vector.broadcast %parallel_loop3A_167 : f32 to vector<16xf32>
      %parallel_loop3A_169 = arith.addf %parallel_loop3A_168, %parallel_loop3A_166 : vector<16xf32>
      %parallel_loop3A_170 = arith.mulf %parallel_loop3A_152, %parallel_loop3A_169 : vector<16xf32>
      %parallel_loop3A_171 = arith.constant 1.000000e+00 : f32
      %parallel_loop3A_172 = vector.broadcast %parallel_loop3A_171 : f32 to vector<16xf32>
      %parallel_loop3A_173 = arith.addf %parallel_loop3A_172, %parallel_loop3A_170 : vector<16xf32>
      %parallel_loop3A_174 = arith.mulf %parallel_loop3A_155, %parallel_loop3A_173 : vector<16xf32>
      %parallel_loop3A_175 = arith.sitofp %parallel_loop3A_137 : vector<16xi32> to vector<16xf32>
      %parallel_loop3A_176 = arith.constant 0.693147182 : f32
      %parallel_loop3A_177 = vector.broadcast %parallel_loop3A_176 : f32 to vector<16xf32>
      %parallel_loop3A_178 = arith.mulf %parallel_loop3A_175, %parallel_loop3A_177 : vector<16xf32>
      %parallel_loop3A_179 = arith.addf %parallel_loop3A_178, %parallel_loop3A_174 : vector<16xf32>
      %parallel_loop3A_180 = arith.index_cast %parallel_loop3A_128 : i32 to index
      %parallel_loop3A_181 = tpu.vector_load %arg7[%parallel_loop3A_180] {strides = array<i32>} : memref<512xf32, #tpu.memory_space<vmem>>, vector<16xf32>,
      tpu.vector_store %arg7[%parallel_loop3A_180], %parallel_loop3A_179 {strides = array<i32>} : memref<512xf32, #tpu.memory_space<vmem>>, vector<16xf32>,
    } {sc.loop_unroll_factor = 4 : i64, sc.parallel_access}
    %dma_wait3A_83 = arith.constant 64 : i32
    %dma_wait3A_84 = tpu.memref_slice %arg6[%dma_wait3A_83] : memref<512xf32, #tpu.memory_space<vmem>> -> memref<64xf32, #tpu.memory_space<vmem>>
    %dma_wait3A_85 = arith.constant 64 : i32
    %dma_wait3A_86 = tpu.memref_slice %arg5[%dma_wait3A_85] : memref<512xi32, #tpu.memory_space<vmem>> -> memref<64xi32, #tpu.memory_space<vmem>>
    %dma_wait3A_87 = arith.constant 0 : i32
    %dma_wait3A_88 = tpu.memref_slice %arg3[%dma_wait3A_87] : memref<1048576xf32, #tpu.memory_space<hbm>> -> memref<1048576xf32, #tpu.memory_space<hbm>>
    tpu.wait_indirect_dma semaphore(%arg11 : memref<!tpu.dma_semaphore, #tpu.memory_space<semaphore_mem>>) src(%dma_wait3A_88 : memref<1048576xf32, #tpu.memory_space<hbm>>) dst(%dma_wait3A_84 : memref<64xf32, #tpu.memory_space<vmem>>)
    %dma_wait3A_89 = arith.constant 128 : i32
    %dma_wait3A_90 = tpu.memref_slice %arg6[%dma_wait3A_89] : memref<512xf32, #tpu.memory_space<vmem>> -> memref<64xf32, #tpu.memory_space<vmem>>
    %dma_wait3A_91 = arith.constant 128 : i32
    %dma_wait3A_92 = tpu.memref_slice %arg5[%dma_wait3A_91] : memref<512xi32, #tpu.memory_space<vmem>> -> memref<64xi32, #tpu.memory_space<vmem>>
    %dma_wait3A_93 = arith.constant 0 : i32
    %dma_wait3A_94 = tpu.memref_slice %arg3[%dma_wait3A_93] : memref<1048576xf32, #tpu.memory_space<hbm>> -> memref<1048576xf32, #tpu.memory_space<hbm>>
    tpu.wait_indirect_dma semaphore(%arg11 : memref<!tpu.dma_semaphore, #tpu.memory_space<semaphore_mem>>) src(%dma_wait3A_94 : memref<1048576xf32, #tpu.memory_space<hbm>>) dst(%dma_wait3A_90 : memref<64xf32, #tpu.memory_space<vmem>>)
    %dma_wait3A_95 = arith.constant 192 : i32
    %dma_wait3A_96 = tpu.memref_slice %arg6[%dma_wait3A_95] : memref<512xf32, #tpu.memory_space<vmem>> -> memref<64xf32, #tpu.memory_space<vmem>>
    %dma_wait3A_97 = arith.constant 192 : i32
    %dma_wait3A_98 = tpu.memref_slice %arg5[%dma_wait3A_97] : memref<512xi32, #tpu.memory_space<vmem>> -> memref<64xi32, #tpu.memory_space<vmem>>
    %dma_wait3A_99 = arith.constant 0 : i32
    %dma_wait3A_100 = tpu.memref_slice %arg3[%dma_wait3A_99] : memref<1048576xf32, #tpu.memory_space<hbm>> -> memref<1048576xf32, #tpu.memory_space<hbm>>
    tpu.wait_indirect_dma semaphore(%arg11 : memref<!tpu.dma_semaphore, #tpu.memory_space<semaphore_mem>>) src(%dma_wait3A_100 : memref<1048576xf32, #tpu.memory_space<hbm>>) dst(%dma_wait3A_96 : memref<64xf32, #tpu.memory_space<vmem>>)
    %dma_wait3A_101 = arith.constant 256 : i32
    %dma_wait3A_102 = tpu.memref_slice %arg6[%dma_wait3A_101] : memref<512xf32, #tpu.memory_space<vmem>> -> memref<64xf32, #tpu.memory_space<vmem>>
    %dma_wait3A_103 = arith.constant 256 : i32
    %dma_wait3A_104 = tpu.memref_slice %arg5[%dma_wait3A_103] : memref<512xi32, #tpu.memory_space<vmem>> -> memref<64xi32, #tpu.memory_space<vmem>>
    %dma_wait3A_105 = arith.constant 0 : i32
    %dma_wait3A_106 = tpu.memref_slice %arg3[%dma_wait3A_105] : memref<1048576xf32, #tpu.memory_space<hbm>> -> memref<1048576xf32, #tpu.memory_space<hbm>>
    tpu.wait_indirect_dma semaphore(%arg11 : memref<!tpu.dma_semaphore, #tpu.memory_space<semaphore_mem>>) src(%dma_wait3A_106 : memref<1048576xf32, #tpu.memory_space<hbm>>) dst(%dma_wait3A_102 : memref<64xf32, #tpu.memory_space<vmem>>)
    %dma_wait3A_107 = arith.constant 320 : i32
    %dma_wait3A_108 = tpu.memref_slice %arg6[%dma_wait3A_107] : memref<512xf32, #tpu.memory_space<vmem>> -> memref<64xf32, #tpu.memory_space<vmem>>
    %dma_wait3A_109 = arith.constant 320 : i32
    %dma_wait3A_110 = tpu.memref_slice %arg5[%dma_wait3A_109] : memref<512xi32, #tpu.memory_space<vmem>> -> memref<64xi32, #tpu.memory_space<vmem>>
    %dma_wait3A_111 = arith.constant 0 : i32
    %dma_wait3A_112 = tpu.memref_slice %arg3[%dma_wait3A_111] : memref<1048576xf32, #tpu.memory_space<hbm>> -> memref<1048576xf32, #tpu.memory_space<hbm>>
    tpu.wait_indirect_dma semaphore(%arg11 : memref<!tpu.dma_semaphore, #tpu.memory_space<semaphore_mem>>) src(%dma_wait3A_112 : memref<1048576xf32, #tpu.memory_space<hbm>>) dst(%dma_wait3A_108 : memref<64xf32, #tpu.memory_space<vmem>>)
    %dma_wait3A_113 = arith.constant 384 : i32
    %dma_wait3A_114 = tpu.memref_slice %arg6[%dma_wait3A_113] : memref<512xf32, #tpu.memory_space<vmem>> -> memref<64xf32, #tpu.memory_space<vmem>>
    %dma_wait3A_115 = arith.constant 384 : i32
    %dma_wait3A_116 = tpu.memref_slice %arg5[%dma_wait3A_115] : memref<512xi32, #tpu.memory_space<vmem>> -> memref<64xi32, #tpu.memory_space<vmem>>
    %dma_wait3A_117 = arith.constant 0 : i32
    %dma_wait3A_118 = tpu.memref_slice %arg3[%dma_wait3A_117] : memref<1048576xf32, #tpu.memory_space<hbm>> -> memref<1048576xf32, #tpu.memory_space<hbm>>
    tpu.wait_indirect_dma semaphore(%arg11 : memref<!tpu.dma_semaphore, #tpu.memory_space<semaphore_mem>>) src(%dma_wait3A_118 : memref<1048576xf32, #tpu.memory_space<hbm>>) dst(%dma_wait3A_114 : memref<64xf32, #tpu.memory_space<vmem>>)
    %dma_wait3A_119 = arith.constant 448 : i32
    %dma_wait3A_120 = tpu.memref_slice %arg6[%dma_wait3A_119] : memref<512xf32, #tpu.memory_space<vmem>> -> memref<64xf32, #tpu.memory_space<vmem>>
    %dma_wait3A_121 = arith.constant 448 : i32
    %dma_wait3A_122 = tpu.memref_slice %arg5[%dma_wait3A_121] : memref<512xi32, #tpu.memory_space<vmem>> -> memref<64xi32, #tpu.memory_space<vmem>>
    %dma_wait3A_123 = arith.constant 0 : i32
    %dma_wait3A_124 = tpu.memref_slice %arg3[%dma_wait3A_123] : memref<1048576xf32, #tpu.memory_space<hbm>> -> memref<1048576xf32, #tpu.memory_space<hbm>>
    tpu.wait_indirect_dma semaphore(%arg11 : memref<!tpu.dma_semaphore, #tpu.memory_space<semaphore_mem>>) src(%dma_wait3A_124 : memref<1048576xf32, #tpu.memory_space<hbm>>) dst(%dma_wait3A_120 : memref<64xf32, #tpu.memory_space<vmem>>)
    %parallel_loop3A_125 = arith.constant 64 : i32
    %parallel_loop3A_126 = arith.constant 512 : i32
    %parallel_loop3A_127 = arith.constant 16 : i32
    scf.for %parallel_loop3A_128 = %parallel_loop3A_125 to %parallel_loop3A_126 step %parallel_loop3A_127  : i32 {
      %parallel_loop3A_129 = arith.index_cast %parallel_loop3A_128 : i32 to index
      %parallel_loop3A_130 = tpu.vector_load %arg6[%parallel_loop3A_129] {strides = array<i32>} : memref<512xf32, #tpu.memory_space<vmem>>, vector<16xf32>,
      %parallel_loop3A_131 = tpu.bitcast %parallel_loop3A_130 : vector<16xf32> -> vector<16xi32>
      %parallel_loop3A_132 = arith.constant 23 : i32
      %parallel_loop3A_133 = vector.broadcast %parallel_loop3A_132 : i32 to vector<16xi32>
      %parallel_loop3A_134 = arith.shrsi %parallel_loop3A_131, %parallel_loop3A_133 : vector<16xi32>
      %parallel_loop3A_135 = arith.constant 127 : i32
      %parallel_loop3A_136 = vector.broadcast %parallel_loop3A_135 : i32 to vector<16xi32>
      %parallel_loop3A_137 = arith.subi %parallel_loop3A_134, %parallel_loop3A_136 : vector<16xi32>
      %parallel_loop3A_138 = arith.constant 8388607 : i32
      %parallel_loop3A_139 = vector.broadcast %parallel_loop3A_138 : i32 to vector<16xi32>
      %parallel_loop3A_140 = arith.andi %parallel_loop3A_131, %parallel_loop3A_139 : vector<16xi32>
      %parallel_loop3A_141 = arith.constant 1065353216 : i32
      %parallel_loop3A_142 = vector.broadcast %parallel_loop3A_141 : i32 to vector<16xi32>
      %parallel_loop3A_143 = arith.ori %parallel_loop3A_140, %parallel_loop3A_142 : vector<16xi32>
      %parallel_loop3A_144 = tpu.bitcast %parallel_loop3A_143 : vector<16xi32> -> vector<16xf32>
      %parallel_loop3A_145 = arith.constant 1.000000e+00 : f32
      %parallel_loop3A_146 = vector.broadcast %parallel_loop3A_145 : f32 to vector<16xf32>
      %parallel_loop3A_147 = arith.subf %parallel_loop3A_144, %parallel_loop3A_146 : vector<16xf32>
      %parallel_loop3A_148 = arith.constant 1.000000e+00 : f32
      %parallel_loop3A_149 = vector.broadcast %parallel_loop3A_148 : f32 to vector<16xf32>
      %parallel_loop3A_150 = arith.addf %parallel_loop3A_144, %parallel_loop3A_149 : vector<16xf32>
      %parallel_loop3A_151 = arith.divf %parallel_loop3A_147, %parallel_loop3A_150 : vector<16xf32>
      %parallel_loop3A_152 = arith.mulf %parallel_loop3A_151, %parallel_loop3A_151 : vector<16xf32>
      %parallel_loop3A_153 = arith.constant 2.000000e+00 : f32
      %parallel_loop3A_154 = vector.broadcast %parallel_loop3A_153 : f32 to vector<16xf32>
      %parallel_loop3A_155 = arith.mulf %parallel_loop3A_154, %parallel_loop3A_151 : vector<16xf32>
      %parallel_loop3A_156 = arith.constant 0.111111112 : f32
      %parallel_loop3A_157 = vector.broadcast %parallel_loop3A_156 : f32 to vector<16xf32>
      %parallel_loop3A_158 = arith.mulf %parallel_loop3A_152, %parallel_loop3A_157 : vector<16xf32>
      %parallel_loop3A_159 = arith.constant 0.142857149 : f32
      %parallel_loop3A_160 = vector.broadcast %parallel_loop3A_159 : f32 to vector<16xf32>
      %parallel_loop3A_161 = arith.addf %parallel_loop3A_160, %parallel_loop3A_158 : vector<16xf32>
      %parallel_loop3A_162 = arith.mulf %parallel_loop3A_152, %parallel_loop3A_161 : vector<16xf32>
      %parallel_loop3A_163 = arith.constant 2.000000e-01 : f32
      %parallel_loop3A_164 = vector.broadcast %parallel_loop3A_163 : f32 to vector<16xf32>
      %parallel_loop3A_165 = arith.addf %parallel_loop3A_164, %parallel_loop3A_162 : vector<16xf32>
      %parallel_loop3A_166 = arith.mulf %parallel_loop3A_152, %parallel_loop3A_165 : vector<16xf32>
      %parallel_loop3A_167 = arith.constant 0.333333343 : f32
      %parallel_loop3A_168 = vector.broadcast %parallel_loop3A_167 : f32 to vector<16xf32>
      %parallel_loop3A_169 = arith.addf %parallel_loop3A_168, %parallel_loop3A_166 : vector<16xf32>
      %parallel_loop3A_170 = arith.mulf %parallel_loop3A_152, %parallel_loop3A_169 : vector<16xf32>
      %parallel_loop3A_171 = arith.constant 1.000000e+00 : f32
      %parallel_loop3A_172 = vector.broadcast %parallel_loop3A_171 : f32 to vector<16xf32>
      %parallel_loop3A_173 = arith.addf %parallel_loop3A_172, %parallel_loop3A_170 : vector<16xf32>
      %parallel_loop3A_174 = arith.mulf %parallel_loop3A_155, %parallel_loop3A_173 : vector<16xf32>
      %parallel_loop3A_175 = arith.sitofp %parallel_loop3A_137 : vector<16xi32> to vector<16xf32>
      %parallel_loop3A_176 = arith.constant 0.693147182 : f32
      %parallel_loop3A_177 = vector.broadcast %parallel_loop3A_176 : f32 to vector<16xf32>
      %parallel_loop3A_178 = arith.mulf %parallel_loop3A_175, %parallel_loop3A_177 : vector<16xf32>
      %parallel_loop3A_179 = arith.addf %parallel_loop3A_178, %parallel_loop3A_174 : vector<16xf32>
      %parallel_loop3A_180 = arith.index_cast %parallel_loop3A_128 : i32 to index
      %parallel_loop3A_181 = tpu.vector_load %arg7[%parallel_loop3A_180] {strides = array<i32>} : memref<512xf32, #tpu.memory_space<vmem>>, vector<16xf32>,
      tpu.vector_store %arg7[%parallel_loop3A_180], %parallel_loop3A_179 {strides = array<i32>} : memref<512xf32, #tpu.memory_space<vmem>>, vector<16xf32>,
    } {sc.loop_unroll_factor = 4 : i64, sc.parallel_access}
    "tpu.region"() ({
      %run_scoped3A = tpu.sem_alloc : memref<!tpu.dma_semaphore, #tpu.memory_space<semaphore_mem>>
      %dma_start3A_128 = tpu.memref_slice %arg4[%mul3A_2] : memref<16384xf32, #tpu.memory_space<hbm>> -> memref<512xf32, #tpu.memory_space<hbm>>
      %dma_start3A_129 = tpu.memref_slice %arg4[%mul3A_2] : memref<16384xf32, #tpu.memory_space<hbm>> -> memref<512xf32, #tpu.memory_space<hbm>>
      tpu.enqueue_dma source(%arg7 : memref<512xf32, #tpu.memory_space<vmem>>) target(%dma_start3A_129 : memref<512xf32, #tpu.memory_space<hbm>>) target_semaphore(%run_scoped3A : memref<!tpu.dma_semaphore, #tpu.memory_space<semaphore_mem>>)
      %dma_wait3A_130 = tpu.memref_slice %arg4[%mul3A_2] : memref<16384xf32, #tpu.memory_space<hbm>> -> memref<512xf32, #tpu.memory_space<hbm>>
      %dma_wait3A_131 = tpu.memref_slice %arg4[%mul3A_2] : memref<16384xf32, #tpu.memory_space<hbm>> -> memref<512xf32, #tpu.memory_space<hbm>>
      tpu.wait_dma2 semaphore(%run_scoped3A : memref<!tpu.dma_semaphore, #tpu.memory_space<semaphore_mem>>) src(%arg7 : memref<512xf32, #tpu.memory_space<vmem>>) dst(%dma_wait3A_131 : memref<512xf32, #tpu.memory_space<hbm>>)
      tpu.yield
    }) : () -> ()
    return
  }
}

module attributes {stable_mosaic.version = 14 : i64} {
  func.func @_pack_body(%arg0: memref<20x16384xi32, #tpu.memory_space<vmem>>, %arg1: memref<16384xi32, #tpu.memory_space<vmem>>) attributes {dimension_semantics = [], scalar_prefetch = 0 : i64, scratch_operands = 0 : i64, tpu.core_type = #tpu.core_type<tc>} {
    %iota3A = tpu.iota {dimensions = array<i32: 0>} : vector<20x1xi32>
    %sub3A = arith.constant 19 : i32
    %sub3A_0 = vector.broadcast %sub3A : i32 to vector<20x1xi32>
    %sub3A_1 = arith.subi %sub3A_0, %iota3A : vector<20x1xi32>
    %shift_left3A = arith.constant 1 : i32
    %shift_left3A_2 = vector.broadcast %shift_left3A : i32 to vector<20x1xi32>
    %shift_left3A_3 = arith.shli %shift_left3A_2, %sub3A_1 : vector<20x1xi32>
    %get3A = arith.constant 0 : index
    %get3A_4 = arith.constant 0 : index
    %get3A_5 = vector.load %arg0[%get3A, %get3A_4] : memref<20x16384xi32, #tpu.memory_space<vmem>>, vector<20x16384xi32>
    %mul3A = vector.broadcast %shift_left3A_3 : vector<20x1xi32> to vector<20x16384xi32>
    %mul3A_6 = arith.muli %get3A_5, %mul3A : vector<20x16384xi32>
    %reduce_sum3A = arith.constant dense<0> : vector<16384xi32>
    %reduce_sum3A_7 = vector.multi_reduction <add>, %mul3A_6, %reduce_sum3A [0] : vector<20x16384xi32> to vector<16384xi32>
    %swap3A = arith.constant 0 : index
    %swap3A_8 = vector.load %arg1[%swap3A] : memref<16384xi32, #tpu.memory_space<vmem>>, vector<16384xi32>
    tpu.vector_store %arg1[%swap3A], %reduce_sum3A_7 {strides = array<i32>} : memref<16384xi32, #tpu.memory_space<vmem>>, vector<16384xi32>,
    return
  }
}

</mosaic_0001>

<sc_bundles>
// kernel: kernel.4.cloned.1.call-start
scs
__scs_entry_jumppad:
0x0: {  	(pc) =	sbr.rel $0x88, $3  }
0x1: {  	(tag) =	ssettag $0x0;
	lr =	simm.s32 $0x1  }
0x2: {  	[smem:$0x3F9F] =	sst lr;
	_ =	strace $0xD0000000  }
0x3: {  	_ = 	snop  }
0x4: {  	_ = 	snop  }
0x5: {  	_ = 	snop  }
0x6: {  	_ = 	snop  }
0x7: {  	_ = 	snop  }
__scs_overlays_trampoline_lowered:
0x8: {  	[smem:$0x3FAE] =	sst s0  }
0x9: {  	[smem:$0x3FAF] =	sst s1  }
0xa: {  	[smem:$0x3FB0] =	sst s2  }
0xb: {  	[smem:$0x3FB1] =	sst s3  }
0xc: {  	[smem:$0x3FB2] =	sst s4  }
0xd: {  	[smem:$0x3FB3] =	sst s5  }
0xe: {  	[smem:$0x3FB4] =	sst s6  }
0xf: {  	[smem:$0x3FB5] =	sst s7  }
0x10: {  	[smem:$0x3FB6] =	sst s8  }
0x11: {  	[smem:$0x3FB7] =	sst s9;
	s0 =	simm.s32 @!p0 $0x0  }
0x12: {  	s1 =	sld [smem:$0x3F9D];
	s0 =	simm.s32 @p0 $0x1  }
0x13: {  	[smem:$0x3FB8] =	sst s0;
	s0 =	simm.s32 @!p1 $0x0  }
0x14: {  	s2 =	sld [smem:$0x3F9C];
	s0 =	simm.s32 @p1 $0x1  }
0x15: {  	[smem:$0x3FB9] =	sst s0;
	s0 =	simm.s32 @!p2 $0x0  }
0x16: {  	s3 =	sld [smem:$0x3FDB];
	s0 =	simm.s32 @p2 $0x1  }
0x17: {  	s4 =	simm.s32 $0x1BF5;
	[smem:$0x3FBB] =	sst s0  }
0x18: {  	s0 =	sld [smem:$0x3F9E];
	_ =	swait.ge [sflag:s4], $0x0  }
0x19: {  	s7 =	sld [smem:$0x3F9F]  }
0x1a: {  	s8 =	sadd.s32 $0xFFFFE003, lr  }
0x1b: {  	s9 =	sadd.s32 $0xFFFFFEF7, lr;
	s5 =	simm.s32 $0xFFFFFFFF;
	p2 =	slt.u32 s8, $0xFFFFF086  }
0x1c: {  	p1 =	slt.u32 s9, $0xF7A;
	s5 =	simm.s32 @!p2 $0x0  }
0x1d: {  	s5 =	simm.s32 @p1 $0x1;
	p0 =	seq.s32 s7, s2  }
0x1e: {  	s7 =	smul.u32 @!p0 $0xF7A, s2;
	p2 =	seq.s32 @!p0 s5, $0x0  }
0x1f: {  	s9 =	smul.u32 $0xF7A, s1;
	s8 =	simm.s32 @!p0 $0x1BF5;
	p2 =	por !p2, p0  }
0x20: {  	[sflag:s8] =	ssyncset.s32 @!p0 $0xFFFFF086;
	s6 =	sadd.s32 @!p0 s3, s7;
	s7 =	simm.s32 @!p0 $0x108  }
0x21: {  	s3 =	sadd.s32 s3, s9;
	s6 =	sadd.s32 @!p0 $0x88, s6;
	s7 =	simm.s32 @p2 $0x1082  }
0x22: {  	[simem:s7], [sflag:s8] =	dma.local @!p0 [hbm:s6], $0xF7A  }
0x23: {  	s9 =	sor.u32 $0xD0000000, s2;
	s6 =	simm.s32 $0x108;
	_ =	swait.ge @!p0 [sflag:s8], $0x0  }
0x24: {  	s3 =	sadd.s32 $0x88, s3;
	s6 =	simm.s32 @!p1 $0x1082;
	[sflag:s4] =	ssyncset.s32 $0xFFFFF086  }
0x25: {  	[simem:s6], [sflag:s4] =	dma.local [hbm:s3], $0xF7A  }
0x26: {  	[smem:$0x3F9F] =	sst s1;
	(tag) =	ssettag s2;
	_ =	strace s9  }
0x27: {  	s1 =	sld [smem:$0x3FAF]  }
0x28: {  	s2 =	sld [smem:$0x3FB0]  }
0x29: {  	s4 =	sld [smem:$0x3FB2]  }
0x2a: {  	p0 =	seq.s32 s5, $0x0;
	s5 =	sld [smem:$0x3FB3]  }
0x2b: {  	s6 =	sld [smem:$0x3FB4]  }
0x2c: {  	s7 =	sld [smem:$0x3FB5]  }
0x2d: {  	s3 =	simm.s32 $0x108;
	s8 =	sld [smem:$0x3FB6]  }
0x2e: {  	s3 =	simm.s32 @!p0 $0x1082;
	s9 =	sld [smem:$0x3FB7]  }
0x2f: {  	lr =	sadd.s32 s0, s3;
	s0 =	sld [smem:$0x3FAE]  }
0x30: {  	s3 =	sld [smem:$0x3FB1]  }
0x31: {  	[smem:$0x3FBA] =	sst s10  }
0x32: {  	s10 =	sld [smem:$0x3FB8];
	_ =	sdelay $0x3  }
0x33: {  	p0 =	seq.s32 s10, $0x1;
	s10 =	sld [smem:$0x3FBA];
	_ =	sdelay $0x3  }
0x34: {  	[smem:$0x3FBA] =	sst s10  }
0x35: {  	s10 =	sld [smem:$0x3FB9];
	_ =	sdelay $0x3  }
0x36: {  	p1 =	seq.s32 s10, $0x1;
	s10 =	sld [smem:$0x3FBA];
	_ =	sdelay $0x3  }
0x37: {  	[smem:$0x3FBA] =	sst s10  }
0x38: {  	s10 =	sld [smem:$0x3FBB]  }
0x39: {  	_ = 	snop;
	(pc) =	sbr.ind lr, $3  }
0x3a: {  	_ = 	snop  }
0x3b: {  	_ = 	snop  }
0x3c: {  	p2 =	seq.s32 s10, $0x1;
	s10 =	sld [smem:$0x3FBA]  }
0x3d: {  	_ =	shalt  }
0x3e: {  	_ =	shalt  }
0x3f: {  	_ =	shalt  }
0x40: {  	_ =	shalt  }
0x41: {  	_ =	shalt  }
0x42: {  	_ =	shalt  }
0x43: {  	_ =	shalt  }
0x44: {  	_ =	shalt  }
0x45: {  	_ =	shalt  }
0x46: {  	_ =	shalt  }
0x47: {  	_ =	shalt  }
0x48: {  	_ =	shalt  }
0x49: {  	_ =	shalt  }
0x4a: {  	_ =	shalt  }
0x4b: {  	_ =	shalt  }
0x4c: {  	_ =	shalt  }
0x4d: {  	_ =	shalt  }
0x4e: {  	_ =	shalt  }
0x4f: {  	_ =	shalt  }
0x50: {  	_ =	shalt  }
0x51: {  	_ =	shalt  }
0x52: {  	_ =	shalt  }
0x53: {  	_ =	shalt  }
0x54: {  	_ =	shalt  }
0x55: {  	_ =	shalt  }
0x56: {  	_ =	shalt  }
0x57: {  	_ =	shalt  }
0x58: {  	_ =	shalt  }
0x59: {  	_ =	shalt  }
0x5a: {  	_ =	shalt  }
0x5b: {  	_ =	shalt  }
0x5c: {  	_ =	shalt  }
0x5d: {  	_ =	shalt  }
0x5e: {  	_ =	shalt  }
0x5f: {  	_ =	shalt  }
0x60: {  	_ =	shalt  }
0x61: {  	_ =	shalt  }
0x62: {  	_ =	shalt  }
0x63: {  	_ =	shalt  }
0x64: {  	_ =	shalt  }
0x65: {  	_ =	shalt  }
0x66: {  	_ =	shalt  }
0x67: {  	_ =	shalt  }
0x68: {  	_ =	shalt  }
0x69: {  	_ =	shalt  }
0x6a: {  	_ =	shalt  }
0x6b: {  	_ =	shalt  }
0x6c: {  	_ =	shalt  }
0x6d: {  	_ =	shalt  }
0x6e: {  	_ =	shalt  }
0x6f: {  	_ =	shalt  }
0x70: {  	_ =	shalt  }
0x71: {  	_ =	shalt  }
0x72: {  	_ =	shalt  }
0x73: {  	_ =	shalt  }
0x74: {  	_ =	shalt  }
0x75: {  	_ =	shalt  }
0x76: {  	_ =	shalt  }
0x77: {  	_ =	shalt  }
0x78: {  	_ =	shalt  }
0x79: {  	_ =	shalt  }
0x7a: {  	_ =	shalt  }
0x7b: {  	_ =	shalt  }
0x7c: {  	_ =	shalt  }
0x7d: {  	_ =	shalt  }
0x7e: {  	_ =	shalt  }
0x7f: {  	_ =	shalt  }
0x80: {  	_ =	shalt  }
0x81: {  	_ =	shalt  }
0x82: {  	_ =	shalt  }
0x83: {  	_ =	shalt  }
0x84: {  	_ =	shalt  }
0x85: {  	_ =	shalt  }
0x86: {  	_ =	shalt  }
0x87: {  	_ =	shalt  }
.Lfunc_end0:
.L_simem_size_0:
called_computation_lowered:
.L_overlay_start_0:
0x88: {  	s2 =	sld [smem:$0x3FD9]  }
0x89: {  	s3 =	sld [smem:$0x3FFE];
	_ =	sdelay $0x1  }
0x8a: {  	s1 =	srdreg.scid  }
0x8b: {  	s0 =	sand.u32 $0x1, s1  }
0x8c: {  	s17 =	sshll.u32 s0, $0xA;
	s2 =	sadd.s32 s3, s2  }
0x8d: {  	s2 =	sadd.s32 s2, s17  }
0x8e: {  	[smem:$0x3FC6] =	sst s2  }
0x8f: {  	_ = 	snop  }
0x90: {  	s2 =	sld [smem:$0x3FC8]  }
0x91: {  	s18 =	sld [smem:$0x3FD0];
	(tm) =	ssettm $0x1  }
0x92: {  	s4 =	sld [smem:$0x3FFB];
	_ =	sdelay $0x3  }
0x93: {  	_ =	strace s4  }
0x94: {  	s4 =	sld [smem:$0x3FFC];
	_ =	sdelay $0x3  }
0x95: {  	_ =	strace s4  }
0x96: {  	s4 =	sld [smem:$0x3FFD];
	_ =	sdelay $0x3  }
0x97: {  	_ =	strace s4  }
0x98: {  	_ =	strace $0x8FFFFFFF  }
0x99: {  	s19 =	sld [smem:$0x3FDB];
	_ =	sdelay $0x1  }
0x9a: {  	s5 =	simm.s32 $_scs_section_size  }
0x9b: {  	s6 =	simm.s32 $_size__tile_overlayer_lowered;
	s7 =	simm.s32 $_tile_overlayer_lowered  }
0x9c: {  	s22 =	simm.s32 $0x1BFF;
	s21 =	sshll.u32 s7, $0x1;
	s4 =	sadd.s32 s5, s19  }
0x9d: {  	s8 =	simm.s32 $0x0;
	s20 =	sshll.u32 s6, $0x1;
	s6 =	sadd.s32 s21, s4  }
0x9e: {  	[timem:s8], [sflag:s22] =	dma.local [hbm:s6], s20  }
0x9f: {  	_ =	swait.ge [sflag:s22], s20  }
0xa0: {  	s5 =	ssub.s32 $0x0, s20;
	[sflag:s22] =	ssyncset.done $0x0  }
0xa1: {  	[sflag:s22] =	ssyncadd.s32 s5;
	_ =	sdelay $0x1  }
0xa2: {  	s23 =	simm.s32 $0x1B8B  }
0xa3: {  	_ =	swait.ge [sflag:s23], $0x1  }
0xa4: {  	[sflag:s23] =	ssyncset.done $0x0  }
0xa5: {  	s25 =	simm.s32 $0x1B8E;
	s24 =	sld [smem:$0x3FFE];
	[sflag:s23] =	ssyncadd.s32 $0xFFFFFFFF  }
0xa6: {  	s26 =	simm.s32 $execute0_lowered;
	[smem:$0x3FD2] =	sst s25  }
0xa7: {  	s6 =	sshll.u32 s26, $0x1;
	_ =	strace $0x80000046;
	[dreg:$0x1] =	wrdreg $0xFFFFFFFF  }
0xa8: {  	s28 =	simm.s32 $_size_execute0_lowered;
	s4 =	sadd.s32 s4, s6;
	[dreg:$0x0] =	wrdreg $0x0  }
0xa9: {  	s6 =	sshll.u32 s28, $0x1;
	[dreg:$0x2] =	wrdreg s4  }
0xaa: {  	[dreg:$0x3] =	wrdreg s6  }
0xab: {  	[dreg:$0x4] =	wrdreg $0xC0  }
0xac: {  	_ =	task [dreg:s8], $0x5FFFF  }
0xad: {  	[dreg:$0x1] =	wrdreg $0xFFFFFFFF  }
0xae: {  	[dreg:$0x0] =	wrdreg $0x60  }
0xaf: {  	[dreg:$0x2] =	wrdreg s24  }
0xb0: {  	[dreg:$0x3] =	wrdreg s2  }
0xb1: {  	[dreg:$0x4] =	wrdreg s18  }
0xb2: {  	[dreg:$0x5] =	wrdreg $0x9  }
0xb3: {  	_ =	task.clear_ibuf [dreg:s8], $0x6FFFF;
	_ =	strace $0x90000046  }
0xb4: {  	s29 =	simm.s32 $0x9;
	_ =	strace $0x80000048  }
0xb5: {  	_ =	swait.ge [sflag:s29], $0x1  }
0xb6: {  	[sflag:s29] =	ssyncadd.s32 $0xFFFFFFFF  }
0xb7: {  	_ =	strace $0x90000048  }
0xb8: {  	_ =	sfence  }
0xb9: {  	s30 =	sld [smem:$0x0];
	_ =	sdelay $0x2  }
0xba: {  	s31 =	sshll.u32 s1, $0xD;
	s1 =	sshrl.u32 s1, $0x2  }
0xbb: {  	s3 =	sand.u32 $0x4000, s31;
	s1 =	sadd.s32 s1, s30  }
0xbc: {  	s0 =	sor.u32 s3, s0;
	s1 =	sshll.u32 s1, $0x11  }
0xbd: {  	s0 =	sor.u32 s1, s0  }
0xbe: {  	s0 =	sadd.s32 $0x8F2B, s0  }
0xbf: {  	[sflag:s0] =	ssyncadd.remote.s32 $0x1  }
0xc0: {  	_ =	sfence.sel $0xFFFF  }
0xc1: {  	[dreg:$0x0] =	wrdreg $0xFFFFFFFF;
	(pc) =	sbr.abs _section_cstart, $3  }
0xc2: {  	[dreg:$0x1] =	wrdreg $0xFFFFFFFF  }
0xc3: {  	_ =	task.clear_ibuf [dreg:s8], $0x2FFFF;
	_ =	strace $0x9FFFFFFF  }
0xc4: {  	(tm) =	ssettm $0x7FFFFFFF  }
0xc5: {  	_ =	shalt  }
tec
execute0_lowered:
.L_overlay_start_1:
0x0: {  	(tag) =	ssettag $0x1  }
0x1: {  	s0 =	rddreg [dreg:$0x0]  }
0x2: {  	s2 =	rddreg [dreg:$0x1]  }
0x3: {  	s1 =	rddreg [dreg:$0x2]  }
0x4: {  	s3 =	srdreg.scid;
	s5 =	stileid.u32  }
0x5: {  	s8 =	simm.s32 $0x40;
	s9 =	simm.s32 $0x1;
	s11 =	simm.s32 $0x2  }
0x6: {  	s12 =	simm.s32 $0x240;
	s13 =	simm.s32 $0x80;
	s14 =	simm.s32 $0x280  }
0x7: {  	s15 =	simm.s32 $0xC0;
	s16 =	simm.s32 $0x2C0;
	s17 =	simm.s32 $0x100  }
0x8: {  	s18 =	simm.s32 $0x300;
	s19 =	simm.s32 $0x140;
	s20 =	simm.s32 $0x340  }
0x9: {  	s21 =	simm.s32 $0x180;
	s22 =	simm.s32 $0x380;
	s23 =	simm.s32 $0x1C0  }
0xa: {  	s24 =	simm.s32 $0x3C0;
	s25 =	simm.s32 $0x3;
	s26 =	simm.s32 $0x4  }
0xb: {  	s28 =	simm.s32 $0x400;
	s29 =	simm.s32 $0x5;
	s30 =	simm.s32 $0x0  }
0xc: {  	s4 =	sand.u32 $0x1, s3;
	s3 =	simm.s32 $0x0;
	s5 =	sshll.u32 s5, $0x7  }
0xd: {  	s6 =	sshll.u32 s4, $0x6;
	[smem:$0x7FF] =	sst s3;
	s4 =	ssub.s32 $0x2, s4  }
0xe: {  	s6 =	sor.u32 s6, s5;
	_ =	strace $0x80000047;
	s31 =	sshrl.u32 s4, $0x1  }
0xf: {  	s0 =	sadd.s32 s6, s0;
	s7 =	ssub.s32 s4, s31;
	s6 =	sadd.s32 s1, s6  }
0x10: {  	s4 =	sadd.s32 $0x800, s0;
	s5 =	sadd.s32 $0x808, s0;
	s7 =	smax.u32 s7, $0x1  }
.LBB2_1:
0x11: {  	[tilespmem:s3], [sflag:$0x1] =	stream.linear.gather [hbm4b:s4+s3], $0x40, $0x38;
	[tilespmem:$0x600] =	vst v63  }
0x12: {  	_ = 	snop  }
0x13: {  	[tilespmem:s8], [sflag:$0x2] =	stream.linear.gather [hbm4b:s5+s3], $0x1C0, $0x38;
	[tilespmem:$0x600] =	vst v63  }
0x14: {  	_ =	swait.ge [sflag:s9], $0x40  }
0x15: {  	[sflag:s9] =	ssyncset.done $0x0  }
0x16: {  	s0 =	simm.s32 $0x200;
	[sflag:s9] =	ssyncadd.s32 $0xFFFFFFC0  }
0x17: {  	[tilespmem:s0], [sflag:$0x3] =	stream.indirect.gather [hbm4b:s2+s8], $0x1, s3, s8, $0xb8;
	[tilespmem:$0x600] =	vst v63  }
0x18: {  	_ =	swait.ge [sflag:s11], $0x1C0  }
0x19: {  	[sflag:s11] =	ssyncset.done $0x0  }
0x1a: {  	[sflag:s11] =	ssyncadd.s32 $0xFFFFFE40  }
0x1b: {  	[tilespmem:s12], [sflag:$0x4] =	stream.indirect.gather [hbm4b:s2+s8], $0x1, s8, s8, $0xb8;
	[tilespmem:$0x600] =	vst v63  }
0x1c: {  	_ = 	snop  }
0x1d: {  	[tilespmem:s14], [sflag:$0x4] =	stream.indirect.gather [hbm4b:s2+s8], $0x1, s13, s8, $0xb8;
	[tilespmem:$0x600] =	vst v63  }
0x1e: {  	_ = 	snop  }
0x1f: {  	[tilespmem:s16], [sflag:$0x4] =	stream.indirect.gather [hbm4b:s2+s8], $0x1, s15, s8, $0xb8;
	[tilespmem:$0x600] =	vst v63  }
0x20: {  	_ = 	snop  }
0x21: {  	[tilespmem:s18], [sflag:$0x4] =	stream.indirect.gather [hbm4b:s2+s8], $0x1, s17, s8, $0xb8;
	[tilespmem:$0x600] =	vst v63  }
0x22: {  	_ = 	snop  }
0x23: {  	[tilespmem:s20], [sflag:$0x4] =	stream.indirect.gather [hbm4b:s2+s8], $0x1, s19, s8, $0xb8;
	[tilespmem:$0x600] =	vst v63  }
0x24: {  	_ = 	snop  }
0x25: {  	[tilespmem:s22], [sflag:$0x4] =	stream.indirect.gather [hbm4b:s2+s8], $0x1, s21, s8, $0xb8;
	[tilespmem:$0x600] =	vst v63  }
0x26: {  	_ = 	snop  }
0x27: {  	[tilespmem:s24], [sflag:$0x4] =	stream.indirect.gather [hbm4b:s2+s8], $0x1, s23, s8, $0xb8;
	[tilespmem:$0x600] =	vst v63  }
0x28: {  	_ =	swait.ge [sflag:s25], $0x40  }
0x29: {  	[sflag:s25] =	ssyncset.done $0x0  }
0x2a: {  	[sflag:s25] =	ssyncadd.s32 $0xFFFFFFC0  }
0x2b: {  	v0 =	vld [tilespmem:$0x200];
	_ =	sdelay $0x4  }
0x2c: {  	v2 =	vld [tilespmem:$0x210];
	v1 =	vand.u32 $0x7FFFFF, v0  }
0x2d: {  	v1 =	vor.u32 $0x3F800000, v1  }
0x2e: {  	v3 =	vadd.f32 $1.000000000e+00, v1;
	_ =	sdelay $0x1  }
0x2f: {  	(erf) = vrcp.f32 v3  }
0x30: {  	v4 =	vld [tilespmem:$0x220];
	v3 =	vand.u32 $0x7FFFFF, v2  }
0x31: {  	v5 =	vld [tilespmem:$0x230];
	v3 =	vor.u32 $0x3F800000, v3  }
0x32: {  	v6 =	vadd.f32 $1.000000000e+00, v3;
	_ =	sdelay $0x1  }
0x33: {  	(erf) = vrcp.f32 v6  }
0x34: {  	v6 =	vand.u32 $0x7FFFFF, v4  }
0x35: {  	v7 =	vand.u32 $0x7FFFFF, v5;
	v6 =	vor.u32 $0x3F800000, v6  }
0x36: {  	v7 =	vor.u32 $0x3F800000, v7;
	v1 =	vadd.f32 $-1.000000000e+00, v1;
	v8 =	vadd.f32 $1.000000000e+00, v6  }
0x37: {  	v10 =	vadd.f32 $1.000000000e+00, v7;
	v9 =	vpop (erf)  }
0x38: {  	(erf) = vrcp.f32 v8;
	v1 =	vmul.f32 v9, v1  }
0x39: {  	(erf) = vrcp.f32 v10  }
0x3a: {  	v8 =	vmul.f32 v1, v1  }
0x3b: {  	v3 =	vadd.f32 $-1.000000000e+00, v3  }
0x3c: {  	v10 =	vpop (erf);
	v9 =	vmul.f32 $1.111111120e-01, v8  }
0x3d: {  	v3 =	vmul.f32 v10, v3  }
0x3e: {  	v9 =	vadd.f32 $1.428571490e-01, v9  }
0x3f: {  	v10 =	vmul.f32 v3, v3  }
0x40: {  	v6 =	vadd.f32 $-1.000000000e+00, v6;
	v9 =	vmul.f32 v9, v8  }
0x41: {  	v7 =	vadd.f32 $-1.000000000e+00, v7;
	v12 =	vpop (erf);
	v11 =	vmul.f32 $1.111111120e-01, v10  }
0x42: {  	v6 =	vmul.f32 v12, v6;
	v12 =	vpop (erf);
	v9 =	vadd.f32 $2.000000030e-01, v9  }
0x43: {  	v7 =	vmul.f32 v12, v7;
	v11 =	vadd.f32 $1.428571490e-01, v11  }
0x44: {  	v12 =	vmul.f32 v6, v6;
	v9 =	vmul.f32 v9, v8  }
0x45: {  	v13 =	vmul.f32 v7, v7;
	v11 =	vmul.f32 v11, v10  }
0x46: {  	v14 =	vmul.f32 $1.111111120e-01, v12;
	v9 =	vadd.f32 $3.333333430e-01, v9  }
0x47: {  	v15 =	vmul.f32 $1.111111120e-01, v13;
	v11 =	vadd.f32 $2.000000030e-01, v11  }
0x48: {  	v8 =	vmul.f32 v9, v8;
	v9 =	vadd.f32 $1.428571490e-01, v14  }
0x49: {  	v11 =	vmul.f32 v11, v10;
	v14 =	vadd.f32 $1.428571490e-01, v15  }
0x4a: {  	v1 =	vadd.f32 v1, v1;
	v8 =	vadd.f32 $1.000000000e+00, v8;
	v9 =	vmul.f32 v9, v12  }
0x4b: {  	v0 =	vshra.s32 v0, $0x17;
	v11 =	vadd.f32 $3.333333430e-01, v11;
	v14 =	vmul.f32 v14, v13  }
0x4c: {  	v5 =	vshra.s32 v5, $0x17;
	v1 =	vmul.f32 v8, v1;
	v8 =	vadd.f32 $2.000000030e-01, v9  }
0x4d: {  	v0 =	vadd.s32 $0xFFFFFF81, v0;
	v9 =	vmul.f32 v11, v10;
	v10 =	vadd.f32 $2.000000030e-01, v14  }
0x4e: {  	v5 =	vadd.s32 $0xFFFFFF81, v5;
	v0 =	vcvt.s32.f32 v0;
	v8 =	vmul.f32 v8, v12  }
0x4f: {  	v3 =	vadd.f32 v3, v3;
	v9 =	vadd.f32 $1.000000000e+00, v9;
	v10 =	vmul.f32 v10, v13  }
0x50: {  	v5 =	vcvt.s32.f32 v5;
	v2 =	vshra.s32 v2, $0x17;
	v8 =	vadd.f32 $3.333333430e-01, v8  }
0x51: {  	v0 =	vmul.f32 $6.931471820e-01, v0;
	v3 =	vmul.f32 v9, v3;
	v9 =	vadd.f32 $3.333333430e-01, v10  }
0x52: {  	v2 =	vadd.s32 $0xFFFFFF81, v2;
	v4 =	vshra.s32 v4, $0x17;
	v8 =	vmul.f32 v8, v12  }
0x53: {  	v2 =	vcvt.s32.f32 v2;
	v4 =	vadd.s32 $0xFFFFFF81, v4;
	v9 =	vmul.f32 v9, v13  }
0x54: {  	v4 =	vcvt.s32.f32 v4;
	v6 =	vadd.f32 v6, v6;
	v8 =	vadd.f32 $1.000000000e+00, v8  }
0x55: {  	v2 =	vmul.f32 $6.931471820e-01, v2;
	v7 =	vadd.f32 v7, v7;
	v9 =	vadd.f32 $1.000000000e+00, v9  }
0x56: {  	v4 =	vmul.f32 $6.931471820e-01, v4;
	v0 =	vadd.f32 v1, v0;
	v1 =	vmul.f32 v8, v6  }
0x57: {  	v5 =	vmul.f32 $6.931471820e-01, v5;
	v2 =	vadd.f32 v3, v2;
	v3 =	vmul.f32 v9, v7  }
0x58: {  	[tilespmem:$0x400] =	vst v0;
	v0 =	vadd.f32 v1, v4  }
0x59: {  	[tilespmem:$0x410] =	vst v2;
	v1 =	vadd.f32 v3, v5  }
0x5a: {  	[tilespmem:$0x420] =	vst v0  }
0x5b: {  	[tilespmem:$0x430] =	vst v1  }
0x5c: {  	_ =	swait.ge [sflag:s26], $0x40  }
0x5d: {  	[sflag:s26] =	ssyncset.done $0x0  }
0x5e: {  	[sflag:s26] =	ssyncadd.s32 $0xFFFFFFC0  }
0x5f: {  	_ =	swait.ge [sflag:s26], $0x40  }
0x60: {  	[sflag:s26] =	ssyncset.done $0x0  }
0x61: {  	[sflag:s26] =	ssyncadd.s32 $0xFFFFFFC0  }
0x62: {  	_ =	swait.ge [sflag:s26], $0x40  }
0x63: {  	[sflag:s26] =	ssyncset.done $0x0  }
0x64: {  	[sflag:s26] =	ssyncadd.s32 $0xFFFFFFC0  }
0x65: {  	_ =	swait.ge [sflag:s26], $0x40  }
0x66: {  	[sflag:s26] =	ssyncset.done $0x0  }
0x67: {  	[sflag:s26] =	ssyncadd.s32 $0xFFFFFFC0  }
0x68: {  	_ =	swait.ge [sflag:s26], $0x40  }
0x69: {  	[sflag:s26] =	ssyncset.done $0x0  }
0x6a: {  	[sflag:s26] =	ssyncadd.s32 $0xFFFFFFC0  }
0x6b: {  	_ =	swait.ge [sflag:s26], $0x40  }
0x6c: {  	[sflag:s26] =	ssyncset.done $0x0  }
0x6d: {  	[sflag:s26] =	ssyncadd.s32 $0xFFFFFFC0  }
0x6e: {  	_ =	swait.ge [sflag:s26], $0x40  }
0x6f: {  	[sflag:s26] =	ssyncset.done $0x0  }
0x70: {  	s1 =	simm.s32 $0x270;
	[sflag:s26] =	ssyncadd.s32 $0xFFFFFFC0  }
0x71: {  	v4 =	vld [tilespmem:s1+$0x0];
	_ =	sdelay $0x1  }
0x72: {  	v0 =	vld [tilespmem:s1+$0xFFFFFFD0]  }
0x73: {  	v1 =	vld [tilespmem:s1+$0xFFFFFFE0];
	_ =	sdelay $0x1  }
0x74: {  	v2 =	vld [tilespmem:s1+$0xFFFFFFF0];
	v3 =	vand.u32 $0x7FFFFF, v4  }
0x75: {  	v3 =	vor.u32 $0x3F800000, v3  }
0x76: {  	v6 =	vand.u32 $0x7FFFFF, v0;
	v5 =	vadd.f32 $1.000000000e+00, v3  }
0x77: {  	v7 =	vand.u32 $0x7FFFFF, v1;
	v6 =	vor.u32 $0x3F800000, v6  }
0x78: {  	v7 =	vor.u32 $0x3F800000, v7;
	v8 =	vadd.f32 $1.000000000e+00, v6;
	(erf) = vrcp.f32 v5  }
0x79: {  	v9 =	vadd.f32 $1.000000000e+00, v7;
	v5 =	vand.u32 $0x7FFFFF, v2  }
0x7a: {  	v5 =	vor.u32 $0x3F800000, v5;
	(erf) = vrcp.f32 v8  }
0x7b: {  	v10 =	vadd.f32 $1.000000000e+00, v5;
	(erf) = vrcp.f32 v9;
	_ =	sdelay $0x1  }
0x7c: {  	(erf) = vrcp.f32 v10;
	_ =	sdelay $0x2  }
0x7d: {  	v3 =	vadd.f32 $-1.000000000e+00, v3  }
0x7e: {  	v0 =	vshra.s32 v0, $0x17;
	v1 =	vshra.s32 v1, $0x17;
	v4 =	vshra.s32 v4, $0x17;
	v8 =	vpop (erf)  }
0x7f: {  	v0 =	vadd.s32 $0xFFFFFF81, v0;
	v8 =	vmul.f32 v8, v3;
	v3 =	vadd.f32 $-1.000000000e+00, v6  }
0x80: {  	v1 =	vadd.s32 $0xFFFFFF81, v1;
	v0 =	vcvt.s32.f32 v0;
	v6 =	vadd.f32 $-1.000000000e+00, v7;
	v9 =	vpop (erf)  }
0x81: {  	v4 =	vadd.s32 $0xFFFFFF81, v4;
	v7 =	vmul.f32 v8, v8;
	v3 =	vmul.f32 v9, v3;
	v9 =	vpop (erf)  }
0x82: {  	v1 =	vcvt.s32.f32 v1;
	v5 =	vadd.f32 $-1.000000000e+00, v5;
	v6 =	vmul.f32 v9, v6  }
0x83: {  	v2 =	vshra.s32 v2, $0x17;
	v10 =	vpop (erf);
	v9 =	vmul.f32 $1.111111120e-01, v7;
	v11 =	vmul.f32 v3, v3  }
0x84: {  	v2 =	vadd.s32 $0xFFFFFF81, v2;
	v5 =	vmul.f32 v10, v5;
	v10 =	vmul.f32 v6, v6  }
0x85: {  	v15 =	vcvt.s32.f32 v2;
	v9 =	vadd.f32 $1.428571490e-01, v9;
	v12 =	vmul.f32 $1.111111120e-01, v11  }
0x86: {  	s10 =	simm.s32 $0x2B0;
	v14 =	vadd.f32 v3, v3;
	v13 =	vmul.f32 v5, v5;
	v3 =	vmul.f32 $1.111111120e-01, v10  }
0x87: {  	v2 =	vld [tilespmem:s10+$0x0];
	v16 =	vadd.f32 v6, v6;
	v9 =	vmul.f32 v9, v7;
	v6 =	vadd.f32 $1.428571490e-01, v12  }
0x88: {  	v4 =	vcvt.s32.f32 v4;
	v12 =	vmul.f32 $1.111111120e-01, v13;
	v17 =	vadd.f32 $1.428571490e-01, v3  }
0x89: {  	v3 =	vadd.f32 v5, v5;
	v5 =	vld [tilespmem:s10+$0xFFFFFFF0];
	v9 =	vadd.f32 $2.000000030e-01, v9;
	v6 =	vmul.f32 v6, v11  }
0x8a: {  	v19 =	vmul.f32 $6.931471820e-01, v0;
	v0 =	vadd.f32 $1.428571490e-01, v12;
	v12 =	vmul.f32 v17, v10;
	v17 =	vld [tilespmem:s10+$0xFFFFFFD0]  }
0x8b: {  	v8 =	vadd.f32 v8, v8;
	v9 =	vmul.f32 v9, v7;
	v6 =	vadd.f32 $2.000000030e-01, v6  }
0x8c: {  	v18 =	vld [tilespmem:s10+$0xFFFFFFE0];
	v20 =	vmul.f32 v0, v13;
	v0 =	vmul.f32 $6.931471820e-01, v15;
	v15 =	vand.u32 $0x7FFFFF, v2  }
0x8d: {  	v12 =	vadd.f32 $2.000000030e-01, v12;
	v15 =	vor.u32 $0x3F800000, v15;
	v9 =	vadd.f32 $3.333333430e-01, v9  }
0x8e: {  	v4 =	vmul.f32 $6.931471820e-01, v4;
	v20 =	vadd.f32 $2.000000030e-01, v20;
	v21 =	vadd.f32 $1.000000000e+00, v15  }
0x8f: {  	v23 =	vand.u32 $0x7FFFFF, v5;
	v7 =	vmul.f32 v9, v7;
	v22 =	vand.u32 $0x7FFFFF, v17  }
0x90: {  	v6 =	vmul.f32 v6, v11;
	(erf) = vrcp.f32 v21;
	v22 =	vor.u32 $0x3F800000, v22  }
0x91: {  	v9 =	vand.u32 $0x7FFFFF, v18;
	v7 =	vadd.f32 $1.000000000e+00, v7;
	v21 =	vadd.f32 $1.000000000e+00, v22  }
0x92: {  	v23 =	vor.u32 $0x3F800000, v23;
	v6 =	vadd.f32 $3.333333430e-01, v6;
	v9 =	vor.u32 $0x3F800000, v9  }
0x93: {  	v7 =	vmul.f32 v7, v8;
	v8 =	vadd.f32 $1.000000000e+00, v9;
	(erf) = vrcp.f32 v21  }
0x94: {  	v5 =	vshra.s32 v5, $0x17;
	v24 =	vadd.f32 $1.000000000e+00, v23;
	v6 =	vmul.f32 v6, v11  }
0x95: {  	v25 =	vadd.f32 v7, v4;
	(erf) = vrcp.f32 v8;
	v8 =	vmul.f32 v12, v10  }
0x96: {  	v7 =	vadd.f32 $-1.000000000e+00, v9;
	v9 =	vmul.f32 v20, v13;
	(erf) = vrcp.f32 v24  }
0x97: {  	v5 =	vadd.s32 $0xFFFFFF81, v5;
	v11 =	vadd.f32 $-1.000000000e+00, v15;
	v8 =	vadd.f32 $3.333333430e-01, v8  }
0x98: {  	v6 =	vadd.f32 $1.000000000e+00, v6;
	v12 =	vshra.s32 v17, $0x17;
	v9 =	vadd.f32 $3.333333430e-01, v9  }
0x99: {  	v17 =	vshra.s32 v18, $0x17;
	v12 =	vadd.s32 $0xFFFFFF81, v12;
	v15 =	vpop (erf);
	v8 =	vmul.f32 v8, v10  }
0x9a: {  	v10 =	vadd.s32 $0xFFFFFF81, v17;
	v17 =	vmul.f32 v9, v13;
	v9 =	vmul.f32 v15, v11  }
0x9b: {  	v4 =	vadd.f32 $-1.000000000e+00, v22;
	v13 =	vcvt.s32.f32 v12;
	v11 =	vcvt.s32.f32 v10  }
0x9c: {  	v10 =	vcvt.s32.f32 v5;
	v12 =	vmul.f32 v9, v9;
	v5 =	vpop (erf)  }
0x9d: {  	v18 =	vmul.f32 v6, v14;
	v4 =	vmul.f32 v5, v4  }
0x9e: {  	v15 =	vadd.f32 $-1.000000000e+00, v23;
	v14 =	vadd.f32 $1.000000000e+00, v17;
	v17 =	vmul.f32 $1.111111120e-01, v12;
	v5 =	vpop (erf)  }
0x9f: {  	v22 =	vadd.f32 $1.000000000e+00, v8;
	v8 =	vmul.f32 v5, v7;
	v6 =	vpop (erf);
	v7 =	vmul.f32 v4, v4  }
0xa0: {  	v1 =	vmul.f32 $6.931471820e-01, v1;
	v17 =	vadd.f32 $1.428571490e-01, v17;
	v15 =	vmul.f32 v6, v15  }
0xa1: {  	v5 =	vadd.f32 v4, v4;
	v6 =	vmul.f32 v8, v8;
	v23 =	vmul.f32 $1.111111120e-01, v7  }
0xa2: {  	v4 =	vadd.f32 v8, v8;
	v21 =	vmul.f32 v17, v12;
	v8 =	vmul.f32 v15, v15  }
0xa3: {  	s31 =	simm.s32 $0x470;
	v17 =	vadd.f32 v18, v19;
	v15 =	vadd.f32 v15, v15;
	v20 =	vmul.f32 $1.111111120e-01, v6  }
0xa4: {  	s0 =	simm.s32 $0x470;
	s1 =	simm.s32 $0x80;
	s10 =	simm.s32 $0x2F0;
	[tilespmem:s31+$0x0] =	vst v25;
	v16 =	vmul.f32 v22, v16;
	v19 =	vadd.f32 $1.428571490e-01, v23;
	v18 =	vmul.f32 $1.111111120e-01, v8  }
.LBB2_2:
0xa5: {  	v22 =	vld [tilespmem:s10+$0x0];
	v20 =	vadd.f32 $1.428571490e-01, v20;
	v21 =	vadd.f32 $2.000000030e-01, v21;
	[tilespmem:s31+$0xFFFFFFD0] =	vst v17;
	v17 =	vmul.f32 v14, v3;
	v3 =	vmovc v15  }
0xa6: {  	s1 =	sadd.s32 $0x40, s1;
	v14 =	vld [tilespmem:s10+$0xFFFFFFE0];
	v15 =	vmul.f32 v19, v7;
	v19 =	vmul.f32 $6.931471820e-01, v13;
	v13 =	vadd.f32 $1.428571490e-01, v18  }
0xa7: {  	p0 =	slt.u32 s1, $0x1C0;
	v16 =	vadd.f32 v16, v1;
	v18 =	vld [tilespmem:s10+$0xFFFFFFF0];
	v20 =	vmul.f32 v20, v6;
	v21 =	vmul.f32 v21, v12  }
0xa8: {  	v1 =	vmul.f32 $6.931471820e-01, v11;
	v23 =	vld [tilespmem:s10+$0xFFFFFFD0];
	v15 =	vadd.f32 $2.000000030e-01, v15;
	v11 =	vmul.f32 v13, v8  }
0xa9: {  	v13 =	vadd.f32 $2.000000030e-01, v20;
	v20 =	vmul.f32 $6.931471820e-01, v10;
	v10 =	vadd.f32 $3.333333430e-01, v21  }
0xaa: {  	v24 =	vshra.s32 v2, $0x17;
	v21 =	vand.u32 $0x7FFFFF, v22;
	v11 =	vadd.f32 $2.000000030e-01, v11;
	[tilespmem:s31+$0xFFFFFFE0] =	vst v16;
	v2 =	vmovc v22  }
0xab: {  	v16 =	vor.u32 $0x3F800000, v21;
	v21 =	vadd.s32 $0xFFFFFF81, v24;
	v10 =	vmul.f32 v10, v12  }
0xac: {  	v12 =	vand.u32 $0x7FFFFF, v14;
	v22 =	vadd.f32 $1.000000000e+00, v16;
	v21 =	vcvt.s32.f32 v21  }
0xad: {  	v9 =	vadd.f32 v9, v9;
	v24 =	vand.u32 $0x7FFFFF, v23;
	v10 =	vadd.f32 $1.000000000e+00, v10  }
0xae: {  	v25 =	vand.u32 $0x7FFFFF, v18;
	v24 =	vor.u32 $0x3F800000, v24;
	v21 =	vmul.f32 $6.931471820e-01, v21  }
0xaf: {  	v12 =	vor.u32 $0x3F800000, v12;
	(erf) = vrcp.f32 v22;
	v9 =	vmul.f32 v10, v9  }
0xb0: {  	v25 =	vor.u32 $0x3F800000, v25;
	v10 =	vadd.f32 $1.000000000e+00, v24;
	v22 =	vadd.f32 $1.000000000e+00, v12  }
0xb1: {  	v15 =	vmul.f32 v15, v7;
	v26 =	vadd.f32 $1.000000000e+00, v25;
	v9 =	vadd.f32 v9, v21  }
0xb2: {  	s31 =	sadd.s32 $0x40, s31;
	v21 =	vadd.f32 $-1.000000000e+00, v24;
	v24 =	vadd.f32 $-1.000000000e+00, v12;
	(erf) = vrcp.f32 v10  }
0xb3: {  	v25 =	vadd.f32 $-1.000000000e+00, v25;
	v10 =	vmul.f32 v13, v6;
	(erf) = vrcp.f32 v22;
	[tilespmem:s31+$0x0] =	vst v9  }
0xb4: {  	v11 =	vmul.f32 v11, v8;
	v9 =	vadd.f32 $3.333333430e-01, v15;
	(erf) = vrcp.f32 v26  }
0xb5: {  	v12 =	vshra.s32 v23, $0x17;
	v13 =	vshra.s32 v14, $0x17;
	v10 =	vadd.f32 $3.333333430e-01, v10  }
0xb6: {  	v14 =	vshra.s32 v18, $0x17;
	v7 =	vmul.f32 v9, v7;
	v9 =	vadd.f32 $3.333333430e-01, v11  }
0xb7: {  	v11 =	vadd.s32 $0xFFFFFF81, v12;
	v12 =	vadd.f32 $-1.000000000e+00, v16;
	v6 =	vmul.f32 v10, v6  }
0xb8: {  	v15 =	vadd.s32 $0xFFFFFF81, v14;
	v10 =	vadd.s32 $0xFFFFFF81, v13;
	v8 =	vmul.f32 v9, v8;
	v13 =	vpop (erf)  }
0xb9: {  	v7 =	vadd.f32 $1.000000000e+00, v7;
	v16 =	vadd.f32 $1.000000000e+00, v6;
	v9 =	vmul.f32 v13, v12  }
0xba: {  	v13 =	vcvt.s32.f32 v11;
	v11 =	vcvt.s32.f32 v10;
	v14 =	vadd.f32 $1.000000000e+00, v8  }
0xbb: {  	v10 =	vcvt.s32.f32 v15;
	v8 =	vadd.f32 v17, v0;
	v12 =	vmul.f32 v9, v9;
	v6 =	vpop (erf)  }
0xbc: {  	v17 =	vmul.f32 v7, v5;
	v0 =	vmov v20;
	v6 =	vmul.f32 v6, v21;
	v15 =	vpop (erf)  }
0xbd: {  	v15 =	vmul.f32 v15, v24;
	v18 =	vmul.f32 $1.111111120e-01, v12;
	v20 =	vpop (erf);
	[tilespmem:s0+$0xFFFFFFF0] =	vst v8;
	s0 =	smov.u32 s31  }
.Ltmp0:
0xbe: {  	v7 =	vmul.f32 v6, v6;
	v5 =	vadd.f32 v6, v6;
	v20 =	vmul.f32 v20, v25;
	(pc) =	sbr.rel @p0 .LBB2_2-.Ltmp0, $4  }
0xbf: {  	v6 =	vmul.f32 v15, v15;
	v22 =	vadd.f32 v15, v15;
	v18 =	vadd.f32 $1.428571490e-01, v18  }
0xc0: {  	v23 =	vmul.f32 $1.111111120e-01, v7;
	v8 =	vmul.f32 v20, v20;
	v15 =	vadd.f32 v20, v20  }
0xc1: {  	v17 =	vadd.f32 v17, v19;
	v20 =	vmul.f32 $1.111111120e-01, v6;
	v21 =	vmul.f32 v18, v12  }
0xc2: {  	s10 =	sadd.s32 $0x40, s10;
	v16 =	vmul.f32 v16, v4;
	v4 =	vmovc v22;
	v19 =	vadd.f32 $1.428571490e-01, v23;
	v18 =	vmul.f32 $1.111111120e-01, v8  }
0xc3: {  	v20 =	vadd.f32 $1.428571490e-01, v20  }
0xc4: {  	v19 =	vmul.f32 v19, v7;
	v18 =	vadd.f32 $1.428571490e-01, v18  }
0xc5: {  	v21 =	vadd.f32 $2.000000030e-01, v21;
	v20 =	vmul.f32 v20, v6  }
0xc6: {  	v19 =	vadd.f32 $2.000000030e-01, v19;
	v18 =	vmul.f32 v18, v8  }
0xc7: {  	v21 =	vmul.f32 v21, v12;
	v20 =	vadd.f32 $2.000000030e-01, v20  }
0xc8: {  	v2 =	vshra.s32 v2, $0x17;
	v18 =	vadd.f32 $2.000000030e-01, v18;
	v19 =	vmul.f32 v19, v7  }
0xc9: {  	v3 =	vmul.f32 v14, v3;
	v21 =	vadd.f32 $3.333333430e-01, v21;
	v51 =	vmul.f32 v20, v6  }
0xca: {  	v9 =	vadd.f32 v9, v9;
	v19 =	vadd.f32 $3.333333430e-01, v19;
	v18 =	vmul.f32 v18, v8  }
0xcb: {  	v56 =	vmul.f32 $6.931471820e-01, v13;
	v52 =	vmul.f32 v21, v12;
	v14 =	vadd.f32 $3.333333430e-01, v51  }
0xcc: {  	v2 =	vadd.s32 $0xFFFFFF81, v2;
	v53 =	vmul.f32 v19, v7;
	v18 =	vadd.f32 $3.333333430e-01, v18  }
0xcd: {  	v2 =	vcvt.s32.f32 v2;
	v12 =	vadd.f32 $1.000000000e+00, v52;
	v54 =	vmul.f32 v14, v6  }
0xce: {  	v1 =	vadd.f32 v16, v1;
	v55 =	vmul.f32 v18, v8;
	v7 =	vadd.f32 $1.000000000e+00, v53  }
0xcf: {  	v2 =	vmul.f32 $6.931471820e-01, v2;
	v9 =	vmul.f32 v12, v9;
	v6 =	vadd.f32 $1.000000000e+00, v54  }
0xd0: {  	[tilespmem:s31+$0xFFFFFFD0] =	vst v17;
	v0 =	vadd.f32 v3, v0;
	v8 =	vadd.f32 $1.000000000e+00, v55;
	v5 =	vmul.f32 v7, v5  }
0xd1: {  	v57 =	vmul.f32 $6.931471820e-01, v11;
	[tilespmem:s31+$0xFFFFFFE0] =	vst v1;
	v2 =	vadd.f32 v9, v2;
	v58 =	vmul.f32 v6, v4  }
0xd2: {  	s1 =	sadd.s32 $0x40, s31;
	v59 =	vmul.f32 $6.931471820e-01, v10;
	[tilespmem:s0+$0xFFFFFFF0] =	vst v0;
	v60 =	vadd.f32 v5, v56;
	v61 =	vmul.f32 v8, v15  }
0xd3: {  	[tilespmem:s1+$0x0] =	vst v2;
	v62 =	vadd.f32 v58, v57  }
0xd4: {  	s30 =	sadd.s32 $0x1, s30;
	[tilespmem:s1+$0xFFFFFFD0] =	vst v60;
	v63 =	vadd.f32 v61, v59  }
0xd5: {  	p0 =	sne.s32 s30, s7;
	[tilespmem:s1+$0xFFFFFFE0] =	vst v62  }
.Ltmp1:
0xd6: {  	[tilespmem:s1+$0xFFFFFFF0] =	vst v63;
	(pc) =	sbr.rel @p0 .LBB2_1-.Ltmp1, $4  }
0xd7: {  	[hbm4b:s6+s3] =	stream.linear.scatter [tilespmem:s28], [sflag:$0x5], $0x200, $0x38;
	[tilespmem:$0x600] =	vst v63  }
0xd8: {  	_ =	swait.ge [sflag:s29], $0x200  }
0xd9: {  	[sflag:s29] =	ssyncset.done $0x0  }
0xda: {  	[sflag:s29] =	ssyncadd.s32 $0xFFFFFE00  }
0xdb: {  	_ =	sfence.sel $0x180000  }
0xdc: {  	[bflag:$0x0] =	sbarrier.arrive $0xFFFF  }
0xdd: {  	_ =	strace $0x90000047  }
0xde: {  	s0 =	stileid.u32;
	[bflag:$0x2] =	sbarrier.arrive $0xFFFF  }
0xdf: {  	p0 =	sne.s32 s0, $0x0;
	s0 =	rddreg [dreg:$0x3]  }
0xe0: {  	s0 =	sadd.s32 @!p0 $0x100000, s0  }
0xe1: {  	[sflag:s0] =	ssyncadd.tile.s32 @!p0 $0x1;
	_ =	shalt  }
.Lfunc_end2:
_tile_overlayer_lowered:
.L_overlay_start_2:
0xe2: {  	(tag) =	ssettag $0x2  }
0xe3: {  	s0 =	rddreg [dreg:$0x0];
	s2 =	stileid.u32  }
0xe4: {  	s1 =	rddreg [dreg:$0x1];
	p0 =	sne.s32 s2, $0x0  }
0xe5: {  	s3 =	rddreg [dreg:$0x2];
	[bflag:$0x3] =	sbarrier.arrive $0xFFFF;
	s2 =	simm.s32 @!p0 $0x1C05  }
0xe6: {  	[timem:s3], [sflag:s2] =	dma.local @!p0 [hbm:s0], s1  }
0xe7: {  	s0 =	simm.s32 @!p0 $0x5  }
0xe8: {  	_ =	swait.ge @!p0 [sflag:s0], s1  }
0xe9: {  	s1 =	ssub.s32 @!p0 $0x0, s1;
	[sflag:s0] =	ssyncset.done @!p0 $0x0  }
0xea: {  	[sflag:s0] =	ssyncadd.s32 @!p0 s1  }
0xeb: {  	[bflag:$0x3] =	sbarrier.arrive $0xFFFF  }
0xec: {  	_ =	shalt  }

</sc_bundles>
